<compile_context>
chip_gen: v7x
topology: tpu7x:2x2x1
jax: 0.10.2.dev20260603
libtpu: 0.0.44.dev20260713+nightly
codegen_flags: <defaults>
</compile_context>

<pallas_src>
import functools

import jax
import jax.numpy as jnp
from jax import lax
from jax.experimental import pallas as pl
from jax.experimental.pallas import tpu as pltpu
from jax.experimental.pallas import tpu_sc as plsc

MAX_NUM = 100000
HIDDEN = 256
EMBED = 128
BATCH = 16384
FIELDS = 26
TOTAL = BATCH * FIELDS

NW = 32
ROWS_PER_W = TOTAL // NW
CHUNK = 128
NCHUNK = ROWS_PER_W // CHUNK

PROJ_BLOCK = 4000


def _proj_body(enc_ref, w_ref, b_ref, out_ref):
    out_ref[...] = (
        jnp.dot(enc_ref[...], w_ref[...], preferred_element_type=jnp.float32)
        + b_ref[...]
    )


def _project_table(encodings, W, b2):
    return pl.pallas_call(
        _proj_body,
        grid=(MAX_NUM // PROJ_BLOCK,),
        in_specs=[
            pl.BlockSpec((PROJ_BLOCK, HIDDEN), lambda i: (i, 0)),
            pl.BlockSpec((HIDDEN, EMBED), lambda i: (0, 0)),
            pl.BlockSpec((1, EMBED), lambda i: (0, 0)),
        ],
        out_specs=pl.BlockSpec((PROJ_BLOCK, EMBED), lambda i: (i, 0)),
        out_shape=jax.ShapeDtypeStruct((MAX_NUM, EMBED), jnp.float32),
    )(encodings, W, b2)


STEP = 256
NSTEP = ROWS_PER_W // STEP


@functools.cache
def _make_gather():
    mesh = plsc.VectorSubcoreMesh(core_axis_name="c", subcore_axis_name="s")

    @functools.partial(
        pl.kernel,
        mesh=mesh,
        out_type=jax.ShapeDtypeStruct((TOTAL, EMBED), jnp.float32),
        scratch_types=[
            pltpu.VMEM((NCHUNK, CHUNK), jnp.int32),
            pltpu.VMEM((STEP, EMBED), jnp.float32),
            pltpu.VMEM((STEP, EMBED), jnp.float32),
            pltpu.SemaphoreType.DMA,
            pltpu.SemaphoreType.DMA,
            pltpu.SemaphoreType.DMA,
            pltpu.SemaphoreType.DMA,
        ],
    )
    def _gather_rows(table_hbm, idx_hbm, out_hbm, idx_v, buf_a, buf_b,
                     gs_a, gs_b, ws_a, ws_b):
        wid = lax.axis_index("s") * 2 + lax.axis_index("c")
        base = wid * ROWS_PER_W
        pltpu.sync_copy(idx_hbm.at[pl.ds(wid * NCHUNK, NCHUNK)], idx_v)

        def start_gather(s, buf, sem):
            c0 = pltpu.async_copy(table_hbm.at[idx_v.at[2 * s]],
                                  buf.at[pl.ds(0, CHUNK)], sem)
            c1 = pltpu.async_copy(table_hbm.at[idx_v.at[2 * s + 1]],
                                  buf.at[pl.ds(CHUNK, CHUNK)], sem)
            return c0, c1

        start_gather(0, buf_a, gs_a)

        def body(i, carry):
            s0 = 2 * i
            s1 = 2 * i + 1

            @pl.when(s1 < NSTEP)
            def _():
                start_gather(s1, buf_b, gs_b)

            c0, c1 = _wait_descs(table_hbm, idx_v, s0, buf_a, gs_a)
            wb_a = pltpu.async_copy(
                buf_a, out_hbm.at[pl.ds(base + s0 * STEP, STEP)], ws_a)
            wb_a.wait()

            @pl.when(s0 + 2 < NSTEP)
            def _():
                start_gather(s0 + 2, buf_a, gs_a)

            @pl.when(s1 < NSTEP)
            def _():
                _wait_descs(table_hbm, idx_v, s1, buf_b, gs_b)
                wb_b = pltpu.async_copy(
                    buf_b, out_hbm.at[pl.ds(base + s1 * STEP, STEP)], ws_b)
                wb_b.wait()

            return carry

        lax.fori_loop(0, (NSTEP + 1) // 2, body, 0)

    return _gather_rows


def _wait_descs(table_hbm, idx_v, s, buf, sem):
    c0 = pltpu.make_async_copy(table_hbm.at[idx_v.at[2 * s]],
                               buf.at[pl.ds(0, CHUNK)], sem)
    c1 = pltpu.make_async_copy(table_hbm.at[idx_v.at[2 * s + 1]],
                               buf.at[pl.ds(CHUNK, CHUNK)], sem)
    c0.wait()
    c1.wait()
    return c0, c1


def kernel(num, encodings, W, b):
    table = _project_table(encodings, W, b.reshape(1, EMBED))
    idx = num.astype(jnp.int32).T.reshape(TOTAL // CHUNK, CHUNK)
    flat = _make_gather()(table, idx)
    return flat.reshape(FIELDS, BATCH, EMBED).transpose(1, 0, 2)

# --- scband reference (transcript-rebuilt; emitter-appended) ---
"""Pipeline reference for scband-number-embedder-60601988546744 (READ-ONLY COPY).

The authoritative reference and input builder live on the scoring server;
editing this copy changes nothing except your own understanding.
"""

import jax, jax.numpy as jnp
import numpy as np

MAX_NUM = 100000
HIDDEN_DIM = 256
EMBED_DIM = 128
BATCH = 16384
FIELDS = 26

def _build_encodings():
    position = jnp.arange(MAX_NUM, dtype=jnp.float32)[:, None]
    div_term = jnp.exp(jnp.arange(0, HIDDEN_DIM, 2, dtype=jnp.float32) * -(np.log(10000.0) / HIDDEN_DIM))
    enc = jnp.zeros((MAX_NUM, HIDDEN_DIM), dtype=jnp.float32)
    enc = enc.at[:, 0::2].set(jnp.sin(position * div_term))
    enc = enc.at[:, 1::2].set(jnp.cos(position * div_term))
    return enc

def setup_inputs(seed: int = 0) -> dict:
    key = jax.random.key(seed)
    k1, k2 = jax.random.split(key)
    num = jax.random.randint(k1, (BATCH, FIELDS), 0, MAX_NUM, dtype=jnp.int64 if jax.config.jax_enable_x64 else jnp.int32)
    encodings = _build_encodings()
    # nn.Linear(hidden_dim, embed_dim): W stored as [embed, hidden] in torch; use [hidden, embed] here
    bound = 1.0 / np.sqrt(HIDDEN_DIM)
    W = jax.random.uniform(k2, (HIDDEN_DIM, EMBED_DIM), minval=-bound, maxval=bound, dtype=jnp.float32)
    b = jax.random.uniform(jax.random.fold_in(k2, 1), (EMBED_DIM,), minval=-bound, maxval=bound, dtype=jnp.float32)
    return {"num": num, "encodings": encodings, "W": W, "b": b}

def reference(num, encodings, W, b):
    # gather rows of the sinusoidal table, then linear projection
    time_embed = jnp.take(encodings, num, axis=0)  # [B, F, hidden]
    return time_embed @ W + b  # [B, F, embed]

if __name__ == "__main__":
    import jax
    _d = setup_inputs()
    print(jax.jit(kernel)(*tuple(_d.values())))

</pallas_src>

<mosaic_0001>
#map = affine_map<(d0, d1) -> (0, 0)>
module attributes {stable_mosaic.version = 14 : i64} {
  func.func @_gather_rows(%arg0: i32, %arg1: i32, %arg2: memref<100000x128xf32, #tpu.memory_space<hbm>>, %arg3: memref<3328x128xi32, #tpu.memory_space<hbm>>, %arg4: memref<425984x128xf32, #tpu.memory_space<hbm>>, %arg5: memref<104x128xi32, #tpu.memory_space<vmem>>, %arg6: memref<256x128xf32, #tpu.memory_space<vmem>>, %arg7: memref<256x128xf32, #tpu.memory_space<vmem>>, %arg8: memref<!tpu.dma_semaphore, #tpu.memory_space<semaphore_mem>>, %arg9: memref<!tpu.dma_semaphore, #tpu.memory_space<semaphore_mem>>, %arg10: memref<!tpu.dma_semaphore, #tpu.memory_space<semaphore_mem>>, %arg11: memref<!tpu.dma_semaphore, #tpu.memory_space<semaphore_mem>>) attributes {dimension_semantics = [#tpu.dimension_semantics<core_parallel>, #tpu.dimension_semantics<subcore_parallel>], iteration_bounds = array<i64: 2, 16>, scalar_prefetch = 0 : i64, scratch_operands = 7 : i64, tpu.core_type = #tpu.core_type<sc_vector_subcore>, window_params = [{transform_indices = #map}, {transform_indices = #map}, {transform_indices = #map}]} {
    %mul3A = arith.constant 2 : i32
    %mul3A_0 = arith.muli %arg1, %mul3A : i32
    %add3A = arith.addi %mul3A_0, %arg0 : i32
    %mul3A_1 = arith.constant 13312 : i32
    %mul3A_2 = arith.muli %add3A, %mul3A_1 : i32
    %mul3A_3 = arith.constant 104 : i32
    %mul3A_4 = arith.muli %add3A, %mul3A_3 : i32
    "tpu.region"() ({
      %run_scoped3A = tpu.sem_alloc : memref<!tpu.dma_semaphore, #tpu.memory_space<semaphore_mem>>
      %dma_start3A_29 = arith.constant 0 : i32
      %dma_start3A_30 = tpu.memref_slice %arg3[%mul3A_4, %dma_start3A_29] : memref<3328x128xi32, #tpu.memory_space<hbm>> -> memref<104x128xi32, #tpu.memory_space<hbm>>
      %dma_start3A_31 = arith.constant 0 : i32
      %dma_start3A_32 = tpu.memref_slice %arg3[%mul3A_4, %dma_start3A_31] : memref<3328x128xi32, #tpu.memory_space<hbm>> -> memref<104x128xi32, #tpu.memory_space<hbm>>
      tpu.enqueue_dma source(%dma_start3A_32 : memref<104x128xi32, #tpu.memory_space<hbm>>) target(%arg5 : memref<104x128xi32, #tpu.memory_space<vmem>>) target_semaphore(%run_scoped3A : memref<!tpu.dma_semaphore, #tpu.memory_space<semaphore_mem>>)
      %dma_wait3A = arith.constant 0 : i32
      %dma_wait3A_33 = tpu.memref_slice %arg3[%mul3A_4, %dma_wait3A] : memref<3328x128xi32, #tpu.memory_space<hbm>> -> memref<104x128xi32, #tpu.memory_space<hbm>>
      %dma_wait3A_34 = arith.constant 0 : i32
      %dma_wait3A_35 = tpu.memref_slice %arg3[%mul3A_4, %dma_wait3A_34] : memref<3328x128xi32, #tpu.memory_space<hbm>> -> memref<104x128xi32, #tpu.memory_space<hbm>>
      tpu.wait_dma2 semaphore(%run_scoped3A : memref<!tpu.dma_semaphore, #tpu.memory_space<semaphore_mem>>) src(%dma_wait3A_35 : memref<104x128xi32, #tpu.memory_space<hbm>>) dst(%arg5 : memref<104x128xi32, #tpu.memory_space<vmem>>)
      tpu.yield
    }) : () -> ()
    %dma_start3A = arith.constant 0 : i32
    %dma_start3A_5 = arith.constant 0 : i32
    %dma_start3A_6 = arith.constant 0 : i32
    %dma_start3A_7 = tpu.memref_slice %arg6[%dma_start3A_5, %dma_start3A_6] : memref<256x128xf32, #tpu.memory_space<vmem>> -> memref<128x128xf32, #tpu.memory_space<vmem>>
    %dma_start3A_8 = arith.constant 0 : i32
    %dma_start3A_9 = tpu.memref_slice %arg5[%dma_start3A, %dma_start3A_8] : memref<104x128xi32, #tpu.memory_space<vmem>> -> memref<1x128xi32, #tpu.memory_space<vmem>>
    %dma_start3A_10 = tpu.memref_squeeze %dma_start3A_9 : memref<1x128xi32, #tpu.memory_space<vmem>> -> memref<128xi32, #tpu.memory_space<vmem>>
    %dma_start3A_11 = arith.constant 0 : i32
    %dma_start3A_12 = arith.constant 0 : i32
    %dma_start3A_13 = tpu.memref_slice %arg2[%dma_start3A_11, %dma_start3A_12] : memref<100000x128xf32, #tpu.memory_space<hbm>> -> memref<100000x128xf32, #tpu.memory_space<hbm>>
    tpu.enqueue_indirect_dma source(%dma_start3A_13 : memref<100000x128xf32, #tpu.memory_space<hbm>>) target(%dma_start3A_7 : memref<128x128xf32, #tpu.memory_space<vmem>>) offsets(%dma_start3A_10 : memref<128xi32, #tpu.memory_space<vmem>>) semaphore(%arg8 : memref<!tpu.dma_semaphore, #tpu.memory_space<semaphore_mem>>)
    %dma_start3A_14 = arith.constant 1 : i32
    %dma_start3A_15 = arith.constant 128 : i32
    %dma_start3A_16 = arith.constant 0 : i32
    %dma_start3A_17 = tpu.memref_slice %arg6[%dma_start3A_15, %dma_start3A_16] : memref<256x128xf32, #tpu.memory_space<vmem>> -> memref<128x128xf32, #tpu.memory_space<vmem>>
    %dma_start3A_18 = arith.constant 0 : i32
    %dma_start3A_19 = tpu.memref_slice %arg5[%dma_start3A_14, %dma_start3A_18] : memref<104x128xi32, #tpu.memory_space<vmem>> -> memref<1x128xi32, #tpu.memory_space<vmem>>
    %dma_start3A_20 = tpu.memref_squeeze %dma_start3A_19 : memref<1x128xi32, #tpu.memory_space<vmem>> -> memref<128xi32, #tpu.memory_space<vmem>>
    %dma_start3A_21 = arith.constant 0 : i32
    %dma_start3A_22 = arith.constant 0 : i32
    %dma_start3A_23 = tpu.memref_slice %arg2[%dma_start3A_21, %dma_start3A_22] : memref<100000x128xf32, #tpu.memory_space<hbm>> -> memref<100000x128xf32, #tpu.memory_space<hbm>>
    tpu.enqueue_indirect_dma source(%dma_start3A_23 : memref<100000x128xf32, #tpu.memory_space<hbm>>) target(%dma_start3A_17 : memref<128x128xf32, #tpu.memory_space<vmem>>) offsets(%dma_start3A_20 : memref<128xi32, #tpu.memory_space<vmem>>) semaphore(%arg8 : memref<!tpu.dma_semaphore, #tpu.memory_space<semaphore_mem>>)
    %scan3A = arith.constant 0 : i32
    %scan3A_24 = arith.constant 0 : i32
    %scan3A_25 = arith.constant 26 : i32
    %scan3A_26 = arith.addi %scan3A_24, %scan3A_25 : i32
    %scan3A_27 = arith.constant 1 : i32
    scf.for %scan3A_29 = %scan3A_24 to %scan3A_26 step %scan3A_27  : i32 {
      %mul3A_30 = arith.constant 2 : i32
      %mul3A_31 = arith.muli %mul3A_30, %scan3A_29 : i32
      %mul3A_32 = arith.constant 2 : i32
      %mul3A_33 = arith.muli %mul3A_32, %scan3A_29 : i32
      %add3A_34 = arith.constant 1 : i32
      %add3A_35 = arith.addi %mul3A_33, %add3A_34 : i32
      %lt3A = arith.constant 52 : i32
      %lt3A_36 = arith.cmpi slt, %add3A_35, %lt3A : i32
      %convert_element_type3A = arith.extui %lt3A_36 : i1 to i32
      %cond3A = arith.constant 0 : i32
      %cond3A_37 = arith.cmpi ne, %convert_element_type3A, %cond3A : i32
      scf.if %cond3A_37 {
        %mul3A_84 = arith.constant 2 : i32
        %mul3A_85 = arith.muli %mul3A_84, %add3A_35 : i32
        %dma_start3A_86 = arith.constant 0 : i32
        %dma_start3A_87 = arith.constant 0 : i32
        %dma_start3A_88 = tpu.memref_slice %arg7[%dma_start3A_86, %dma_start3A_87] : memref<256x128xf32, #tpu.memory_space<vmem>> -> memref<128x128xf32, #tpu.memory_space<vmem>>
        %dma_start3A_89 = arith.constant 0 : i32
        %dma_start3A_90 = tpu.memref_slice %arg5[%mul3A_85, %dma_start3A_89] : memref<104x128xi32, #tpu.memory_space<vmem>> -> memref<1x128xi32, #tpu.memory_space<vmem>>
        %dma_start3A_91 = tpu.memref_squeeze %dma_start3A_90 : memref<1x128xi32, #tpu.memory_space<vmem>> -> memref<128xi32, #tpu.memory_space<vmem>>
        %dma_start3A_92 = arith.constant 0 : i32
        %dma_start3A_93 = arith.constant 0 : i32
        %dma_start3A_94 = tpu.memref_slice %arg2[%dma_start3A_92, %dma_start3A_93] : memref<100000x128xf32, #tpu.memory_space<hbm>> -> memref<100000x128xf32, #tpu.memory_space<hbm>>
        tpu.enqueue_indirect_dma source(%dma_start3A_94 : memref<100000x128xf32, #tpu.memory_space<hbm>>) target(%dma_start3A_88 : memref<128x128xf32, #tpu.memory_space<vmem>>) offsets(%dma_start3A_91 : memref<128xi32, #tpu.memory_space<vmem>>) semaphore(%arg9 : memref<!tpu.dma_semaphore, #tpu.memory_space<semaphore_mem>>)
        %mul3A_95 = arith.constant 2 : i32
        %mul3A_96 = arith.muli %mul3A_95, %add3A_35 : i32
        %add3A_97 = arith.constant 1 : i32
        %add3A_98 = arith.addi %mul3A_96, %add3A_97 : i32
        %dma_start3A_99 = arith.constant 128 : i32
        %dma_start3A_100 = arith.constant 0 : i32
        %dma_start3A_101 = tpu.memref_slice %arg7[%dma_start3A_99, %dma_start3A_100] : memref<256x128xf32, #tpu.memory_space<vmem>> -> memref<128x128xf32, #tpu.memory_space<vmem>>
        %dma_start3A_102 = arith.constant 0 : i32
        %dma_start3A_103 = tpu.memref_slice %arg5[%add3A_98, %dma_start3A_102] : memref<104x128xi32, #tpu.memory_space<vmem>> -> memref<1x128xi32, #tpu.memory_space<vmem>>
        %dma_start3A_104 = tpu.memref_squeeze %dma_start3A_103 : memref<1x128xi32, #tpu.memory_space<vmem>> -> memref<128xi32, #tpu.memory_space<vmem>>
        %dma_start3A_105 = arith.constant 0 : i32
        %dma_start3A_106 = arith.constant 0 : i32
        %dma_start3A_107 = tpu.memref_slice %arg2[%dma_start3A_105, %dma_start3A_106] : memref<100000x128xf32, #tpu.memory_space<hbm>> -> memref<100000x128xf32, #tpu.memory_space<hbm>>
        tpu.enqueue_indirect_dma source(%dma_start3A_107 : memref<100000x128xf32, #tpu.memory_space<hbm>>) target(%dma_start3A_101 : memref<128x128xf32, #tpu.memory_space<vmem>>) offsets(%dma_start3A_104 : memref<128xi32, #tpu.memory_space<vmem>>) semaphore(%arg9 : memref<!tpu.dma_semaphore, #tpu.memory_space<semaphore_mem>>)
      } else {
      }
      %mul3A_38 = arith.constant 2 : i32
      %mul3A_39 = arith.muli %mul3A_38, %mul3A_31 : i32
      %mul3A_40 = arith.constant 2 : i32
      %mul3A_41 = arith.muli %mul3A_40, %mul3A_31 : i32
      %add3A_42 = arith.constant 1 : i32
      %add3A_43 = arith.addi %mul3A_41, %add3A_42 : i32
      %dma_wait3A = arith.constant 0 : i32
      %dma_wait3A_44 = arith.constant 0 : i32
      %dma_wait3A_45 = tpu.memref_slice %arg6[%dma_wait3A, %dma_wait3A_44] : memref<256x128xf32, #tpu.memory_space<vmem>> -> memref<128x128xf32, #tpu.memory_space<vmem>>
      %dma_wait3A_46 = arith.constant 0 : i32
      %dma_wait3A_47 = tpu.memref_slice %arg5[%mul3A_39, %dma_wait3A_46] : memref<104x128xi32, #tpu.memory_space<vmem>> -> memref<1x128xi32, #tpu.memory_space<vmem>>
      %dma_wait3A_48 = tpu.memref_squeeze %dma_wait3A_47 : memref<1x128xi32, #tpu.memory_space<vmem>> -> memref<128xi32, #tpu.memory_space<vmem>>
      %dma_wait3A_49 = arith.constant 0 : i32
      %dma_wait3A_50 = arith.constant 0 : i32
      %dma_wait3A_51 = tpu.memref_slice %arg2[%dma_wait3A_49, %dma_wait3A_50] : memref<100000x128xf32, #tpu.memory_space<hbm>> -> memref<100000x128xf32, #tpu.memory_space<hbm>>
      tpu.wait_indirect_dma semaphore(%arg8 : memref<!tpu.dma_semaphore, #tpu.memory_space<semaphore_mem>>) src(%dma_wait3A_51 : memref<100000x128xf32, #tpu.memory_space<hbm>>) dst(%dma_wait3A_45 : memref<128x128xf32, #tpu.memory_space<vmem>>)
      %dma_wait3A_52 = arith.constant 128 : i32
      %dma_wait3A_53 = arith.constant 0 : i32
      %dma_wait3A_54 = tpu.memref_slice %arg6[%dma_wait3A_52, %dma_wait3A_53] : memref<256x128xf32, #tpu.memory_space<vmem>> -> memref<128x128xf32, #tpu.memory_space<vmem>>
      %dma_wait3A_55 = arith.constant 0 : i32
      %dma_wait3A_56 = tpu.memref_slice %arg5[%add3A_43, %dma_wait3A_55] : memref<104x128xi32, #tpu.memory_space<vmem>> -> memref<1x128xi32, #tpu.memory_space<vmem>>
      %dma_wait3A_57 = tpu.memref_squeeze %dma_wait3A_56 : memref<1x128xi32, #tpu.memory_space<vmem>> -> memref<128xi32, #tpu.memory_space<vmem>>
      %dma_wait3A_58 = arith.constant 0 : i32
      %dma_wait3A_59 = arith.constant 0 : i32
      %dma_wait3A_60 = tpu.memref_slice %arg2[%dma_wait3A_58, %dma_wait3A_59] : memref<100000x128xf32, #tpu.memory_space<hbm>> -> memref<100000x128xf32, #tpu.memory_space<hbm>>
      tpu.wait_indirect_dma semaphore(%arg8 : memref<!tpu.dma_semaphore, #tpu.memory_space<semaphore_mem>>) src(%dma_wait3A_60 : memref<100000x128xf32, #tpu.memory_space<hbm>>) dst(%dma_wait3A_54 : memref<128x128xf32, #tpu.memory_space<vmem>>)
      %mul3A_61 = arith.constant 256 : i32
      %mul3A_62 = arith.muli %mul3A_31, %mul3A_61 : i32
      %add3A_63 = arith.addi %mul3A_2, %mul3A_62 : i32
      %dma_start3A_64 = arith.constant 0 : i32
      %dma_start3A_65 = tpu.memref_slice %arg4[%add3A_63, %dma_start3A_64] : memref<425984x128xf32, #tpu.memory_space<hbm>> -> memref<256x128xf32, #tpu.memory_space<hbm>>
      %dma_start3A_66 = arith.constant 0 : i32
      %dma_start3A_67 = tpu.memref_slice %arg4[%add3A_63, %dma_start3A_66] : memref<425984x128xf32, #tpu.memory_space<hbm>> -> memref<256x128xf32, #tpu.memory_space<hbm>>
      tpu.enqueue_dma source(%arg6 : memref<256x128xf32, #tpu.memory_space<vmem>>) target(%dma_start3A_67 : memref<256x128xf32, #tpu.memory_space<hbm>>) target_semaphore(%arg10 : memref<!tpu.dma_semaphore, #tpu.memory_space<semaphore_mem>>)
      %dma_wait3A_68 = arith.constant 0 : i32
      %dma_wait3A_69 = tpu.memref_slice %arg4[%add3A_63, %dma_wait3A_68] : memref<425984x128xf32, #tpu.memory_space<hbm>> -> memref<256x128xf32, #tpu.memory_space<hbm>>
      %dma_wait3A_70 = arith.constant 0 : i32
      %dma_wait3A_71 = tpu.memref_slice %arg4[%add3A_63, %dma_wait3A_70] : memref<425984x128xf32, #tpu.memory_space<hbm>> -> memref<256x128xf32, #tpu.memory_space<hbm>>
      tpu.wait_dma2 semaphore(%arg10 : memref<!tpu.dma_semaphore, #tpu.memory_space<semaphore_mem>>) src(%arg6 : memref<256x128xf32, #tpu.memory_space<vmem>>) dst(%dma_wait3A_71 : memref<256x128xf32, #tpu.memory_space<hbm>>)
      %add3A_72 = arith.constant 2 : i32
      %add3A_73 = arith.addi %mul3A_31, %add3A_72 : i32
      %lt3A_74 = arith.constant 52 : i32
      %lt3A_75 = arith.cmpi slt, %add3A_73, %lt3A_74 : i32
      %convert_element_type3A_76 = arith.extui %lt3A_75 : i1 to i32
      %cond3A_77 = arith.constant 0 : i32
      %cond3A_78 = arith.cmpi ne, %convert_element_type3A_76, %cond3A_77 : i32
      scf.if %cond3A_78 {
        %add3A_84 = arith.constant 2 : i32
        %add3A_85 = arith.addi %mul3A_31, %add3A_84 : i32
        %mul3A_86 = arith.constant 2 : i32
        %mul3A_87 = arith.muli %mul3A_86, %add3A_85 : i32
        %dma_start3A_88 = arith.constant 0 : i32
        %dma_start3A_89 = arith.constant 0 : i32
        %dma_start3A_90 = tpu.memref_slice %arg6[%dma_start3A_88, %dma_start3A_89] : memref<256x128xf32, #tpu.memory_space<vmem>> -> memref<128x128xf32, #tpu.memory_space<vmem>>
        %dma_start3A_91 = arith.constant 0 : i32
        %dma_start3A_92 = tpu.memref_slice %arg5[%mul3A_87, %dma_start3A_91] : memref<104x128xi32, #tpu.memory_space<vmem>> -> memref<1x128xi32, #tpu.memory_space<vmem>>
        %dma_start3A_93 = tpu.memref_squeeze %dma_start3A_92 : memref<1x128xi32, #tpu.memory_space<vmem>> -> memref<128xi32, #tpu.memory_space<vmem>>
        %dma_start3A_94 = arith.constant 0 : i32
        %dma_start3A_95 = arith.constant 0 : i32
        %dma_start3A_96 = tpu.memref_slice %arg2[%dma_start3A_94, %dma_start3A_95] : memref<100000x128xf32, #tpu.memory_space<hbm>> -> memref<100000x128xf32, #tpu.memory_space<hbm>>
        tpu.enqueue_indirect_dma source(%dma_start3A_96 : memref<100000x128xf32, #tpu.memory_space<hbm>>) target(%dma_start3A_90 : memref<128x128xf32, #tpu.memory_space<vmem>>) offsets(%dma_start3A_93 : memref<128xi32, #tpu.memory_space<vmem>>) semaphore(%arg8 : memref<!tpu.dma_semaphore, #tpu.memory_space<semaphore_mem>>)
        %mul3A_97 = arith.constant 2 : i32
        %mul3A_98 = arith.muli %mul3A_97, %add3A_85 : i32
        %add3A_99 = arith.constant 1 : i32
        %add3A_100 = arith.addi %mul3A_98, %add3A_99 : i32
        %dma_start3A_101 = arith.constant 128 : i32
        %dma_start3A_102 = arith.constant 0 : i32
        %dma_start3A_103 = tpu.memref_slice %arg6[%dma_start3A_101, %dma_start3A_102] : memref<256x128xf32, #tpu.memory_space<vmem>> -> memref<128x128xf32, #tpu.memory_space<vmem>>
        %dma_start3A_104 = arith.constant 0 : i32
        %dma_start3A_105 = tpu.memref_slice %arg5[%add3A_100, %dma_start3A_104] : memref<104x128xi32, #tpu.memory_space<vmem>> -> memref<1x128xi32, #tpu.memory_space<vmem>>
        %dma_start3A_106 = tpu.memref_squeeze %dma_start3A_105 : memref<1x128xi32, #tpu.memory_space<vmem>> -> memref<128xi32, #tpu.memory_space<vmem>>
        %dma_start3A_107 = arith.constant 0 : i32
        %dma_start3A_108 = arith.constant 0 : i32
        %dma_start3A_109 = tpu.memref_slice %arg2[%dma_start3A_107, %dma_start3A_108] : memref<100000x128xf32, #tpu.memory_space<hbm>> -> memref<100000x128xf32, #tpu.memory_space<hbm>>
        tpu.enqueue_indirect_dma source(%dma_start3A_109 : memref<100000x128xf32, #tpu.memory_space<hbm>>) target(%dma_start3A_103 : memref<128x128xf32, #tpu.memory_space<vmem>>) offsets(%dma_start3A_106 : memref<128xi32, #tpu.memory_space<vmem>>) semaphore(%arg8 : memref<!tpu.dma_semaphore, #tpu.memory_space<semaphore_mem>>)
      } else {
      }
      %lt3A_79 = arith.constant 52 : i32
      %lt3A_80 = arith.cmpi slt, %add3A_35, %lt3A_79 : i32
      %convert_element_type3A_81 = arith.extui %lt3A_80 : i1 to i32
      %cond3A_82 = arith.constant 0 : i32
      %cond3A_83 = arith.cmpi ne, %convert_element_type3A_81, %cond3A_82 : i32
      scf.if %cond3A_83 {
        %mul3A_84 = arith.constant 2 : i32
        %mul3A_85 = arith.muli %mul3A_84, %add3A_35 : i32
        %mul3A_86 = arith.constant 2 : i32
        %mul3A_87 = arith.muli %mul3A_86, %add3A_35 : i32
        %add3A_88 = arith.constant 1 : i32
        %add3A_89 = arith.addi %mul3A_87, %add3A_88 : i32
        %dma_wait3A_90 = arith.constant 0 : i32
        %dma_wait3A_91 = arith.constant 0 : i32
        %dma_wait3A_92 = tpu.memref_slice %arg7[%dma_wait3A_90, %dma_wait3A_91] : memref<256x128xf32, #tpu.memory_space<vmem>> -> memref<128x128xf32, #tpu.memory_space<vmem>>
        %dma_wait3A_93 = arith.constant 0 : i32
        %dma_wait3A_94 = tpu.memref_slice %arg5[%mul3A_85, %dma_wait3A_93] : memref<104x128xi32, #tpu.memory_space<vmem>> -> memref<1x128xi32, #tpu.memory_space<vmem>>
        %dma_wait3A_95 = tpu.memref_squeeze %dma_wait3A_94 : memref<1x128xi32, #tpu.memory_space<vmem>> -> memref<128xi32, #tpu.memory_space<vmem>>
        %dma_wait3A_96 = arith.constant 0 : i32
        %dma_wait3A_97 = arith.constant 0 : i32
        %dma_wait3A_98 = tpu.memref_slice %arg2[%dma_wait3A_96, %dma_wait3A_97] : memref<100000x128xf32, #tpu.memory_space<hbm>> -> memref<100000x128xf32, #tpu.memory_space<hbm>>
        tpu.wait_indirect_dma semaphore(%arg9 : memref<!tpu.dma_semaphore, #tpu.memory_space<semaphore_mem>>) src(%dma_wait3A_98 : memref<100000x128xf32, #tpu.memory_space<hbm>>) dst(%dma_wait3A_92 : memref<128x128xf32, #tpu.memory_space<vmem>>)
        %dma_wait3A_99 = arith.constant 128 : i32
        %dma_wait3A_100 = arith.constant 0 : i32
        %dma_wait3A_101 = tpu.memref_slice %arg7[%dma_wait3A_99, %dma_wait3A_100] : memref<256x128xf32, #tpu.memory_space<vmem>> -> memref<128x128xf32, #tpu.memory_space<vmem>>
        %dma_wait3A_102 = arith.constant 0 : i32
        %dma_wait3A_103 = tpu.memref_slice %arg5[%add3A_89, %dma_wait3A_102] : memref<104x128xi32, #tpu.memory_space<vmem>> -> memref<1x128xi32, #tpu.memory_space<vmem>>
        %dma_wait3A_104 = tpu.memref_squeeze %dma_wait3A_103 : memref<1x128xi32, #tpu.memory_space<vmem>> -> memref<128xi32, #tpu.memory_space<vmem>>
        %dma_wait3A_105 = arith.constant 0 : i32
        %dma_wait3A_106 = arith.constant 0 : i32
        %dma_wait3A_107 = tpu.memref_slice %arg2[%dma_wait3A_105, %dma_wait3A_106] : memref<100000x128xf32, #tpu.memory_space<hbm>> -> memref<100000x128xf32, #tpu.memory_space<hbm>>
        tpu.wait_indirect_dma semaphore(%arg9 : memref<!tpu.dma_semaphore, #tpu.memory_space<semaphore_mem>>) src(%dma_wait3A_107 : memref<100000x128xf32, #tpu.memory_space<hbm>>) dst(%dma_wait3A_101 : memref<128x128xf32, #tpu.memory_space<vmem>>)
        %mul3A_108 = arith.constant 256 : i32
        %mul3A_109 = arith.muli %add3A_35, %mul3A_108 : i32
        %add3A_110 = arith.addi %mul3A_2, %mul3A_109 : i32
        %dma_start3A_111 = arith.constant 0 : i32
        %dma_start3A_112 = tpu.memref_slice %arg4[%add3A_110, %dma_start3A_111] : memref<425984x128xf32, #tpu.memory_space<hbm>> -> memref<256x128xf32, #tpu.memory_space<hbm>>
        %dma_start3A_113 = arith.constant 0 : i32
        %dma_start3A_114 = tpu.memref_slice %arg4[%add3A_110, %dma_start3A_113] : memref<425984x128xf32, #tpu.memory_space<hbm>> -> memref<256x128xf32, #tpu.memory_space<hbm>>
        tpu.enqueue_dma source(%arg7 : memref<256x128xf32, #tpu.memory_space<vmem>>) target(%dma_start3A_114 : memref<256x128xf32, #tpu.memory_space<hbm>>) target_semaphore(%arg11 : memref<!tpu.dma_semaphore, #tpu.memory_space<semaphore_mem>>)
        %dma_wait3A_115 = arith.constant 0 : i32
        %dma_wait3A_116 = tpu.memref_slice %arg4[%add3A_110, %dma_wait3A_115] : memref<425984x128xf32, #tpu.memory_space<hbm>> -> memref<256x128xf32, #tpu.memory_space<hbm>>
        %dma_wait3A_117 = arith.constant 0 : i32
        %dma_wait3A_118 = tpu.memref_slice %arg4[%add3A_110, %dma_wait3A_117] : memref<425984x128xf32, #tpu.memory_space<hbm>> -> memref<256x128xf32, #tpu.memory_space<hbm>>
        tpu.wait_dma2 semaphore(%arg11 : memref<!tpu.dma_semaphore, #tpu.memory_space<semaphore_mem>>) src(%arg7 : memref<256x128xf32, #tpu.memory_space<vmem>>) dst(%dma_wait3A_118 : memref<256x128xf32, #tpu.memory_space<hbm>>)
      } else {
      }
    }
    %scan3A_28 = arith.constant 26 : i32
    return
  }
}

module attributes {stable_mosaic.version = 14 : i64} {
  func.func @_proj_body(%arg0: i32, %arg1: memref<4000x256xf32, #tpu.memory_space<vmem>>, %arg2: memref<256x128xf32, #tpu.memory_space<vmem>>, %arg3: memref<1x128xf32, #tpu.memory_space<vmem>>, %arg4: memref<4000x128xf32, #tpu.memory_space<vmem>>) attributes {dimension_semantics = [#tpu.dimension_semantics<arbitrary>], iteration_bounds = array<i64: 25>, scalar_prefetch = 0 : i64, scratch_operands = 0 : i64, tpu.core_type = #tpu.core_type<tc>, window_params = [{transform_indices = @transform_0, window_bounds = array<i64: 4000, 256>}, {pipeline_mode = #tpu.pipeline_mode<synchronous>, transform_indices = @transform_1, window_bounds = array<i64: 256, 128>}, {pipeline_mode = #tpu.pipeline_mode<synchronous>, transform_indices = @transform_2, window_bounds = array<i64: 1, 128>}, {transform_indices = @transform_3, window_bounds = array<i64: 4000, 128>}]} {
    %get3A = arith.constant 0 : index
    %get3A_0 = arith.constant 0 : index
    %get3A_1 = vector.load %arg1[%get3A, %get3A_0] : memref<4000x256xf32, #tpu.memory_space<vmem>>, vector<4000x256xf32>
    %get3A_2 = arith.constant 0 : index
    %get3A_3 = arith.constant 0 : index
    %get3A_4 = vector.load %arg2[%get3A_2, %get3A_3] : memref<256x128xf32, #tpu.memory_space<vmem>>, vector<256x128xf32>
    %dot_general3A = arith.constant dense<0.000000e+00> : vector<4000x128xf32>
    %dot_general3A_5 = tpu.matmul %get3A_1, %get3A_4, %dot_general3A {dimension_numbers = #tpu.dot_dimension_numbers<[1], [0], [0], [1], [0, 0, 1, 1], [], []>, transpose_lhs_hint = false} : vector<4000x256xf32>, vector<256x128xf32>, vector<4000x128xf32> -> vector<4000x128xf32>
    %get3A_6 = arith.constant 0 : index
    %get3A_7 = arith.constant 0 : index
    %get3A_8 = vector.load %arg3[%get3A_6, %get3A_7] : memref<1x128xf32, #tpu.memory_space<vmem>>, vector<1x128xf32>
    %add3A = vector.broadcast %get3A_8 : vector<1x128xf32> to vector<4000x128xf32>
    %add3A_9 = arith.addf %dot_general3A_5, %add3A : vector<4000x128xf32>
    %swap3A = arith.constant 0 : index
    %swap3A_10 = arith.constant 0 : index
    %swap3A_11 = vector.load %arg4[%swap3A, %swap3A_10] : memref<4000x128xf32, #tpu.memory_space<vmem>>, vector<4000x128xf32>
    tpu.vector_store %arg4[%swap3A, %swap3A_10], %add3A_9 {strides = array<i32>} : memref<4000x128xf32, #tpu.memory_space<vmem>>, vector<4000x128xf32>,
    return
  }
  func.func @transform_0(%arg0: i32) -> (i32, i32) {
    %c0_i32 = arith.constant 0 : i32
    %c0_i32_0 = arith.constant 0 : i32
    return %arg0, %c0_i32 : i32, i32
  }
  func.func @transform_1(%arg0: i32) -> (i32, i32) {
    %c0_i32 = arith.constant 0 : i32
    %c0_i32_0 = arith.constant 0 : i32
    %c0_i32_1 = arith.constant 0 : i32
    return %c0_i32, %c0_i32_0 : i32, i32
  }
  func.func @transform_2(%arg0: i32) -> (i32, i32) {
    %c0_i32 = arith.constant 0 : i32
    %c0_i32_0 = arith.constant 0 : i32
    %c0_i32_1 = arith.constant 0 : i32
    return %c0_i32, %c0_i32_0 : i32, i32
  }
  func.func @transform_3(%arg0: i32) -> (i32, i32) {
    %c0_i32 = arith.constant 0 : i32
    %c0_i32_0 = arith.constant 0 : i32
    return %arg0, %c0_i32 : i32, i32
  }
}

</mosaic_0001>

<sc_bundles>
// kernel: kernel.4.cloned.1.call-start
scs
__scs_entry_jumppad:
0x0: {  	(pc) =	sbr.rel $0x88, $3  }
0x1: {  	(tag) =	ssettag $0x0;
	lr =	simm.s32 $0x1  }
0x2: {  	[smem:$0x3F9D] =	sst lr;
	_ =	strace $0xD0000000  }
0x3: {  	_ = 	snop  }
0x4: {  	_ = 	snop  }
0x5: {  	_ = 	snop  }
0x6: {  	_ = 	snop  }
0x7: {  	_ = 	snop  }
__scs_overlays_trampoline_lowered:
0x8: {  	[smem:$0x3FAC] =	sst s0  }
0x9: {  	[smem:$0x3FAD] =	sst s1  }
0xa: {  	[smem:$0x3FAE] =	sst s2  }
0xb: {  	[smem:$0x3FAF] =	sst s3  }
0xc: {  	[smem:$0x3FB0] =	sst s4  }
0xd: {  	[smem:$0x3FB1] =	sst s5  }
0xe: {  	[smem:$0x3FB2] =	sst s6  }
0xf: {  	[smem:$0x3FB3] =	sst s7  }
0x10: {  	[smem:$0x3FB4] =	sst s8  }
0x11: {  	[smem:$0x3FB5] =	sst s9;
	s0 =	simm.s32 @!p0 $0x0  }
0x12: {  	s1 =	sld [smem:$0x3F9B];
	s0 =	simm.s32 @p0 $0x1  }
0x13: {  	[smem:$0x3FB6] =	sst s0;
	s0 =	simm.s32 @!p1 $0x0  }
0x14: {  	s2 =	sld [smem:$0x3F9A];
	s0 =	simm.s32 @p1 $0x1  }
0x15: {  	[smem:$0x3FB7] =	sst s0;
	s0 =	simm.s32 @!p2 $0x0  }
0x16: {  	s3 =	sld [smem:$0x3FDB];
	s0 =	simm.s32 @p2 $0x1  }
0x17: {  	s4 =	simm.s32 $0x1BF5;
	[smem:$0x3FB9] =	sst s0  }
0x18: {  	s0 =	sld [smem:$0x3F9C];
	_ =	swait.ge [sflag:s4], $0x0  }
0x19: {  	s7 =	sld [smem:$0x3F9D]  }
0x1a: {  	s8 =	sadd.s32 $0xFFFFE003, lr  }
0x1b: {  	s9 =	sadd.s32 $0xFFFFFEF7, lr;
	s5 =	simm.s32 $0xFFFFFFFF;
	p2 =	slt.u32 s8, $0xFFFFF086  }
0x1c: {  	p1 =	slt.u32 s9, $0xF7A;
	s5 =	simm.s32 @!p2 $0x0  }
0x1d: {  	s5 =	simm.s32 @p1 $0x1;
	p0 =	seq.s32 s7, s2  }
0x1e: {  	s7 =	smul.u32 @!p0 $0xF7A, s2;
	p2 =	seq.s32 @!p0 s5, $0x0  }
0x1f: {  	s9 =	smul.u32 $0xF7A, s1;
	s8 =	simm.s32 @!p0 $0x1BF5;
	p2 =	por !p2, p0  }
0x20: {  	[sflag:s8] =	ssyncset.s32 @!p0 $0xFFFFF086;
	s6 =	sadd.s32 @!p0 s3, s7;
	s7 =	simm.s32 @!p0 $0x108  }
0x21: {  	s3 =	sadd.s32 s3, s9;
	s6 =	sadd.s32 @!p0 $0x88, s6;
	s7 =	simm.s32 @p2 $0x1082  }
0x22: {  	[simem:s7], [sflag:s8] =	dma.local @!p0 [hbm:s6], $0xF7A  }
0x23: {  	s9 =	sor.u32 $0xD0000000, s2;
	s6 =	simm.s32 $0x108;
	_ =	swait.ge @!p0 [sflag:s8], $0x0  }
0x24: {  	s3 =	sadd.s32 $0x88, s3;
	s6 =	simm.s32 @!p1 $0x1082;
	[sflag:s4] =	ssyncset.s32 $0xFFFFF086  }
0x25: {  	[simem:s6], [sflag:s4] =	dma.local [hbm:s3], $0xF7A  }
0x26: {  	[smem:$0x3F9D] =	sst s1;
	(tag) =	ssettag s2;
	_ =	strace s9  }
0x27: {  	s1 =	sld [smem:$0x3FAD]  }
0x28: {  	s2 =	sld [smem:$0x3FAE]  }
0x29: {  	s4 =	sld [smem:$0x3FB0]  }
0x2a: {  	p0 =	seq.s32 s5, $0x0;
	s5 =	sld [smem:$0x3FB1]  }
0x2b: {  	s6 =	sld [smem:$0x3FB2]  }
0x2c: {  	s7 =	sld [smem:$0x3FB3]  }
0x2d: {  	s3 =	simm.s32 $0x108;
	s8 =	sld [smem:$0x3FB4]  }
0x2e: {  	s3 =	simm.s32 @!p0 $0x1082;
	s9 =	sld [smem:$0x3FB5]  }
0x2f: {  	lr =	sadd.s32 s0, s3;
	s0 =	sld [smem:$0x3FAC]  }
0x30: {  	s3 =	sld [smem:$0x3FAF]  }
0x31: {  	[smem:$0x3FB8] =	sst s10  }
0x32: {  	s10 =	sld [smem:$0x3FB6];
	_ =	sdelay $0x3  }
0x33: {  	p0 =	seq.s32 s10, $0x1;
	s10 =	sld [smem:$0x3FB8];
	_ =	sdelay $0x3  }
0x34: {  	[smem:$0x3FB8] =	sst s10  }
0x35: {  	s10 =	sld [smem:$0x3FB7];
	_ =	sdelay $0x3  }
0x36: {  	p1 =	seq.s32 s10, $0x1;
	s10 =	sld [smem:$0x3FB8];
	_ =	sdelay $0x3  }
0x37: {  	[smem:$0x3FB8] =	sst s10  }
0x38: {  	s10 =	sld [smem:$0x3FB9]  }
0x39: {  	_ = 	snop;
	(pc) =	sbr.ind lr, $3  }
0x3a: {  	_ = 	snop  }
0x3b: {  	_ = 	snop  }
0x3c: {  	p2 =	seq.s32 s10, $0x1;
	s10 =	sld [smem:$0x3FB8]  }
0x3d: {  	_ =	shalt  }
0x3e: {  	_ =	shalt  }
0x3f: {  	_ =	shalt  }
0x40: {  	_ =	shalt  }
0x41: {  	_ =	shalt  }
0x42: {  	_ =	shalt  }
0x43: {  	_ =	shalt  }
0x44: {  	_ =	shalt  }
0x45: {  	_ =	shalt  }
0x46: {  	_ =	shalt  }
0x47: {  	_ =	shalt  }
0x48: {  	_ =	shalt  }
0x49: {  	_ =	shalt  }
0x4a: {  	_ =	shalt  }
0x4b: {  	_ =	shalt  }
0x4c: {  	_ =	shalt  }
0x4d: {  	_ =	shalt  }
0x4e: {  	_ =	shalt  }
0x4f: {  	_ =	shalt  }
0x50: {  	_ =	shalt  }
0x51: {  	_ =	shalt  }
0x52: {  	_ =	shalt  }
0x53: {  	_ =	shalt  }
0x54: {  	_ =	shalt  }
0x55: {  	_ =	shalt  }
0x56: {  	_ =	shalt  }
0x57: {  	_ =	shalt  }
0x58: {  	_ =	shalt  }
0x59: {  	_ =	shalt  }
0x5a: {  	_ =	shalt  }
0x5b: {  	_ =	shalt  }
0x5c: {  	_ =	shalt  }
0x5d: {  	_ =	shalt  }
0x5e: {  	_ =	shalt  }
0x5f: {  	_ =	shalt  }
0x60: {  	_ =	shalt  }
0x61: {  	_ =	shalt  }
0x62: {  	_ =	shalt  }
0x63: {  	_ =	shalt  }
0x64: {  	_ =	shalt  }
0x65: {  	_ =	shalt  }
0x66: {  	_ =	shalt  }
0x67: {  	_ =	shalt  }
0x68: {  	_ =	shalt  }
0x69: {  	_ =	shalt  }
0x6a: {  	_ =	shalt  }
0x6b: {  	_ =	shalt  }
0x6c: {  	_ =	shalt  }
0x6d: {  	_ =	shalt  }
0x6e: {  	_ =	shalt  }
0x6f: {  	_ =	shalt  }
0x70: {  	_ =	shalt  }
0x71: {  	_ =	shalt  }
0x72: {  	_ =	shalt  }
0x73: {  	_ =	shalt  }
0x74: {  	_ =	shalt  }
0x75: {  	_ =	shalt  }
0x76: {  	_ =	shalt  }
0x77: {  	_ =	shalt  }
0x78: {  	_ =	shalt  }
0x79: {  	_ =	shalt  }
0x7a: {  	_ =	shalt  }
0x7b: {  	_ =	shalt  }
0x7c: {  	_ =	shalt  }
0x7d: {  	_ =	shalt  }
0x7e: {  	_ =	shalt  }
0x7f: {  	_ =	shalt  }
0x80: {  	_ =	shalt  }
0x81: {  	_ =	shalt  }
0x82: {  	_ =	shalt  }
0x83: {  	_ =	shalt  }
0x84: {  	_ =	shalt  }
0x85: {  	_ =	shalt  }
0x86: {  	_ =	shalt  }
0x87: {  	_ =	shalt  }
.Lfunc_end0:
.L_simem_size_0:
called_computation_lowered:
.L_overlay_start_0:
0x88: {  	s2 =	sld [smem:$0x3FD9]  }
0x89: {  	s3 =	sld [smem:$0x3FFE];
	_ =	sdelay $0x1  }
0x8a: {  	s1 =	srdreg.scid  }
0x8b: {  	s0 =	sand.u32 $0x1, s1  }
0x8c: {  	s17 =	sshll.u32 s0, $0xA;
	s2 =	sadd.s32 s3, s2  }
0x8d: {  	s2 =	sadd.s32 s2, s17  }
0x8e: {  	[smem:$0x3FC4] =	sst s2  }
0x8f: {  	_ = 	snop  }
0x90: {  	s2 =	sld [smem:$0x3FD0];
	(tm) =	ssettm $0x1  }
0x91: {  	s18 =	sld [smem:$0x3FFB];
	_ =	sdelay $0x3  }
0x92: {  	_ =	strace s18  }
0x93: {  	s3 =	sld [smem:$0x3FFC];
	_ =	sdelay $0x3  }
0x94: {  	_ =	strace s3  }
0x95: {  	s3 =	sld [smem:$0x3FFD];
	_ =	sdelay $0x3  }
0x96: {  	_ =	strace s3  }
0x97: {  	_ =	strace $0x8FFFFFFF  }
0x98: {  	s19 =	sld [smem:$0x3FDB];
	_ =	sdelay $0x1  }
0x99: {  	s4 =	simm.s32 $_scs_section_size  }
0x9a: {  	s5 =	simm.s32 $_size__tile_overlayer_lowered;
	s6 =	simm.s32 $_tile_overlayer_lowered  }
0x9b: {  	s22 =	simm.s32 $0x1BFF;
	s21 =	sshll.u32 s6, $0x1;
	s3 =	sadd.s32 s4, s19  }
0x9c: {  	s7 =	simm.s32 $0x0;
	s20 =	sshll.u32 s5, $0x1;
	s5 =	sadd.s32 s21, s3  }
0x9d: {  	[timem:s7], [sflag:s22] =	dma.local [hbm:s5], s20  }
0x9e: {  	_ =	swait.ge [sflag:s22], s20  }
0x9f: {  	s4 =	ssub.s32 $0x0, s20;
	[sflag:s22] =	ssyncset.done $0x0  }
0xa0: {  	[sflag:s22] =	ssyncadd.s32 s4;
	_ =	sdelay $0x1  }
0xa1: {  	s23 =	simm.s32 $0x1B8B  }
0xa2: {  	_ =	swait.ge [sflag:s23], $0x1  }
0xa3: {  	[sflag:s23] =	ssyncset.done $0x0  }
0xa4: {  	s25 =	simm.s32 $0x1B8E;
	s24 =	sld [smem:$0x3FFE];
	[sflag:s23] =	ssyncadd.s32 $0xFFFFFFFF  }
0xa5: {  	s26 =	simm.s32 $execute0_lowered;
	[smem:$0x3FD2] =	sst s25  }
0xa6: {  	s5 =	sshll.u32 s26, $0x1;
	_ =	strace $0x80000046;
	[dreg:$0x1] =	wrdreg $0xFFFFFFFF  }
0xa7: {  	s28 =	simm.s32 $_size_execute0_lowered;
	s3 =	sadd.s32 s3, s5;
	[dreg:$0x0] =	wrdreg $0x0  }
0xa8: {  	s5 =	sshll.u32 s28, $0x1;
	[dreg:$0x2] =	wrdreg s3  }
0xa9: {  	[dreg:$0x3] =	wrdreg s5  }
0xaa: {  	[dreg:$0x4] =	wrdreg $0xC0  }
0xab: {  	_ =	task [dreg:s7], $0x5FFFF  }
0xac: {  	[dreg:$0x1] =	wrdreg $0xFFFFFFFF  }
0xad: {  	[dreg:$0x0] =	wrdreg $0x60  }
0xae: {  	[dreg:$0x2] =	wrdreg s24  }
0xaf: {  	[dreg:$0x3] =	wrdreg s2  }
0xb0: {  	[dreg:$0x4] =	wrdreg $0x9  }
0xb1: {  	_ =	task.clear_ibuf [dreg:s7], $0x5FFFF;
	_ =	strace $0x90000046  }
0xb2: {  	s29 =	simm.s32 $0x9;
	_ =	strace $0x80000048  }
0xb3: {  	_ =	swait.ge [sflag:s29], $0x1  }
0xb4: {  	[sflag:s29] =	ssyncadd.s32 $0xFFFFFFFF  }
0xb5: {  	_ =	strace $0x90000048  }
0xb6: {  	_ =	sfence  }
0xb7: {  	s30 =	sld [smem:$0x0];
	_ =	sdelay $0x2  }
0xb8: {  	s31 =	sshll.u32 s1, $0xD;
	s1 =	sshrl.u32 s1, $0x2  }
0xb9: {  	s3 =	sand.u32 $0x4000, s31;
	s1 =	sadd.s32 s1, s30  }
0xba: {  	s0 =	sor.u32 s3, s0;
	s1 =	sshll.u32 s1, $0x11  }
0xbb: {  	s0 =	sor.u32 s1, s0  }
0xbc: {  	s0 =	sadd.s32 $0x8F2B, s0  }
0xbd: {  	[sflag:s0] =	ssyncadd.remote.s32 $0x1  }
0xbe: {  	_ =	sfence.sel $0xFFFF  }
0xbf: {  	[dreg:$0x0] =	wrdreg $0xFFFFFFFF;
	(pc) =	sbr.abs _section_cstart, $3  }
0xc0: {  	[dreg:$0x1] =	wrdreg $0xFFFFFFFF  }
0xc1: {  	_ =	task.clear_ibuf [dreg:s7], $0x2FFFF;
	_ =	strace $0x9FFFFFFF  }
0xc2: {  	(tm) =	ssettm $0x7FFFFFFF  }
0xc3: {  	_ =	shalt  }
tec
execute0_lowered:
.L_overlay_start_1:
0x0: {  	(tag) =	ssettag $0x1  }
0x1: {  	s1 =	srdreg.scid  }
0x2: {  	s0 =	stileid.u32;
	s4 =	rddreg [dreg:$0x0]  }
0x3: {  	s9 =	rddreg [dreg:$0x1];
	s2 =	simm.s32 $0x0;
	s12 =	simm.s32 $0x3400  }
0x4: {  	s13 =	simm.s32 $0x7400;
	s14 =	simm.s32 $0xB400;
	s15 =	simm.s32 $0xF400  }
0x5: {  	s16 =	simm.s32 $0x1;
	s17 =	simm.s32 $0x3;
	s18 =	simm.s32 $0x2  }
0x6: {  	s19 =	simm.s32 $0x4;
	s20 =	simm.s32 $0x3300;
	s21 =	simm.s32 $0x3380  }
0x7: {  	s22 =	simm.s32 $0x0;
	s5 =	sand.u32 $0x1, s1;
	s1 =	rddreg [dreg:$0x2]  }
0x8: {  	s29 =	sshll.u32 s0, $0x1;
	[smem:$0x7FF] =	sst s2;
	s10 =	smul.u32 $0x340000, s0  }
0x9: {  	s3 =	sor.u32 s5, s29;
	s8 =	ssub.s32 $0x2, s5;
	s5 =	smul.u32 $0x1A0000, s5  }
0xa: {  	_ =	strace $0x80000047;
	s6 =	smul.u32 $0x680, s3;
	s11 =	sshrl.u32 s8, $0x1  }
0xb: {  	s7 =	smul.u32 $0x1A0000, s3;
	s3 =	sadd.s32 $0xD800, s4;
	s30 =	ssub.s32 s8, s11  }
0xc: {  	s31 =	sadd.s32 s5, s10;
	s11 =	simm.s32 $0x80;
	s4 =	sadd.s32 s6, s4  }
0xd: {  	s7 =	sshrl.u32 s7, $0x3;
	s5 =	smax.u32 s30, $0x1;
	s10 =	sor.u32 $0x8000, s31  }
0xe: {  	s8 =	sshrl.u32 s31, $0x3;
	s4 =	sadd.s32 $0x800, s4;
	s7 =	sadd.s32 s9, s7  }
0xf: {  	s10 =	sshrl.u32 s10, $0x3;
	s8 =	sadd.s32 s8, s9;
	s6 =	sadd.s32 $0x32000, s7  }
0x10: {  	s7 =	sadd.s32 $0x33000, s7;
	s9 =	sadd.s32 s10, s9;
	s10 =	simm.s32 $0x5  }
.LBB2_1:
0x11: {  	[tilespmem:s2], [sflag:$0x5] =	stream.linear.gather [hbm4b:s4+s2], $0x3400, $0x38;
	[tilespmem:$0x13400] =	vst v63  }
0x12: {  	_ =	swait.ge [sflag:s10], $0x3400  }
0x13: {  	[sflag:s10] =	ssyncset.done $0x0  }
0x14: {  	[sflag:s10] =	ssyncadd.s32 $0xFFFFCC00  }
0x15: {  	[tilespmem:s12], [sflag:$0x1] =	stream.indirect.gather [hbm4b:s3+s11], $0x80, s2, s11, $0xb8;
	[tilespmem:$0x13400] =	vst v63  }
0x16: {  	_ = 	snop  }
0x17: {  	[tilespmem:s13], [sflag:$0x1] =	stream.indirect.gather [hbm4b:s3+s11], $0x80, s11, s11, $0xb8;
	[tilespmem:$0x13400] =	vst v63  }
0x18: {  	s23 =	simm.s32 $0x100  }
0x19: {  	[tilespmem:s14], [sflag:$0x2] =	stream.indirect.gather [hbm4b:s3+s11], $0x80, s23, s11, $0xb8;
	[tilespmem:$0x13400] =	vst v63  }
0x1a: {  	s29 =	simm.s32 $0x180  }
0x1b: {  	[tilespmem:s15], [sflag:$0x2] =	stream.indirect.gather [hbm4b:s3+s11], $0x80, s29, s11, $0xb8;
	[tilespmem:$0x13400] =	vst v63  }
0x1c: {  	_ =	swait.ge [sflag:s16], $0x4000  }
0x1d: {  	[sflag:s16] =	ssyncset.done $0x0  }
0x1e: {  	[sflag:s16] =	ssyncadd.s32 $0xFFFFC000  }
0x1f: {  	_ =	swait.ge [sflag:s16], $0x4000  }
0x20: {  	[sflag:s16] =	ssyncset.done $0x0  }
0x21: {  	[sflag:s16] =	ssyncadd.s32 $0xFFFFC000  }
0x22: {  	[hbm4b:s8+s2] =	stream.linear.scatter [tilespmem:s12], [sflag:$0x3], $0x8000, $0x38;
	[tilespmem:$0x13400] =	vst v63  }
0x23: {  	_ =	swait.ge [sflag:s17], $0x8000  }
0x24: {  	[sflag:s17] =	ssyncset.done $0x0  }
0x25: {  	s30 =	simm.s32 $0x200;
	[sflag:s17] =	ssyncadd.s32 $0xFFFF8000  }
0x26: {  	[tilespmem:s12], [sflag:$0x1] =	stream.indirect.gather [hbm4b:s3+s11], $0x80, s30, s11, $0xb8;
	[tilespmem:$0x13400] =	vst v63  }
0x27: {  	s31 =	simm.s32 $0x280  }
0x28: {  	[tilespmem:s13], [sflag:$0x1] =	stream.indirect.gather [hbm4b:s3+s11], $0x80, s31, s11, $0xb8;
	[tilespmem:$0x13400] =	vst v63  }
0x29: {  	_ =	swait.ge [sflag:s18], $0x4000  }
0x2a: {  	[sflag:s18] =	ssyncset.done $0x0  }
0x2b: {  	[sflag:s18] =	ssyncadd.s32 $0xFFFFC000  }
0x2c: {  	_ =	swait.ge [sflag:s18], $0x4000  }
0x2d: {  	[sflag:s18] =	ssyncset.done $0x0  }
0x2e: {  	[sflag:s18] =	ssyncadd.s32 $0xFFFFC000  }
0x2f: {  	[hbm4b:s9+s2] =	stream.linear.scatter [tilespmem:s14], [sflag:$0x4], $0x8000, $0x38;
	[tilespmem:$0x13400] =	vst v63  }
0x30: {  	s26 =	simm.s32 $0x1000;
	s25 =	simm.s32 $0x200;
	_ =	swait.ge [sflag:s19], $0x8000  }
0x31: {  	s24 =	sadd.s32 $0x2000, s8;
	s23 =	sadd.s32 $0x2000, s9;
	[sflag:s19] =	ssyncset.done $0x0  }
.LBB2_2:
0x32: {  	s28 =	sadd.s32 $0x100, s25  }
0x33: {  	[sflag:s19] =	ssyncadd.s32 $0xFFFF8000;
	s29 =	smov.u32 s26;
	s30 =	sadd.s32 $0x800, s26  }
0x34: {  	[tilespmem:s14], [sflag:$0x2] =	stream.indirect.gather [hbm4b:s3+s11], $0x80, s28, s11, $0xb8;
	[tilespmem:$0x13400] =	vst v63  }
0x35: {  	p0 =	sne.s32 s26, $0xC000;
	s26 =	sadd.s32 $0x180, s25  }
0x36: {  	[tilespmem:s15], [sflag:$0x2] =	stream.indirect.gather [hbm4b:s3+s11], $0x80, s26, s11, $0xb8;
	[tilespmem:$0x13400] =	vst v63  }
0x37: {  	_ =	swait.ge [sflag:s16], $0x4000  }
0x38: {  	[sflag:s16] =	ssyncset.done $0x0  }
0x39: {  	[sflag:s16] =	ssyncadd.s32 $0xFFFFC000  }
0x3a: {  	_ =	swait.ge [sflag:s16], $0x4000  }
0x3b: {  	[sflag:s16] =	ssyncset.done $0x0  }
0x3c: {  	[sflag:s16] =	ssyncadd.s32 $0xFFFFC000  }
0x3d: {  	[hbm4b:s24+s2] =	stream.linear.scatter [tilespmem:s12], [sflag:$0x3], $0x8000, $0x38;
	[tilespmem:$0x13400] =	vst v63  }
0x3e: {  	_ =	swait.ge [sflag:s17], $0x8000  }
0x3f: {  	[sflag:s17] =	ssyncset.done $0x0  }
0x40: {  	s26 =	sadd.s32 $0x200, s25;
	[sflag:s17] =	ssyncadd.s32 $0xFFFF8000  }
0x41: {  	[tilespmem:s12], [sflag:$0x1] =	stream.indirect.gather [hbm4b:s3+s11], $0x80, s26, s11, $0xb8;
	[tilespmem:$0x13400] =	vst v63  }
0x42: {  	s25 =	sadd.s32 $0x280, s25  }
0x43: {  	[tilespmem:s13], [sflag:$0x1] =	stream.indirect.gather [hbm4b:s3+s11], $0x80, s25, s11, $0xb8;
	[tilespmem:$0x13400] =	vst v63  }
0x44: {  	_ =	swait.ge [sflag:s18], $0x4000  }
0x45: {  	[sflag:s18] =	ssyncset.done $0x0  }
0x46: {  	[sflag:s18] =	ssyncadd.s32 $0xFFFFC000  }
0x47: {  	_ =	swait.ge [sflag:s18], $0x4000  }
.Ltmp0:
0x48: {  	[sflag:s18] =	ssyncset.done $0x0;
	(pc) =	sbr.rel @p0 .LBB2_2-.Ltmp0, $4  }
0x49: {  	[sflag:s18] =	ssyncadd.s32 $0xFFFFC000  }
0x4a: {  	[hbm4b:s23+s2] =	stream.linear.scatter [tilespmem:s14], [sflag:$0x4], $0x8000, $0x38;
	[tilespmem:$0x13400] =	vst v63  }
0x4b: {  	s24 =	sadd.s32 $0x2000, s24;
	s23 =	sadd.s32 $0x2000, s23;
	_ =	swait.ge [sflag:s19], $0x8000  }
0x4c: {  	s26 =	smov.u32 s30;
	s25 =	sshra.s32 s29, $0x2;
	[sflag:s19] =	ssyncset.done $0x0  }
0x4d: {  	s26 =	sadd.s32 $0x100, s25;
	[sflag:s19] =	ssyncadd.s32 $0xFFFF8000  }
0x4e: {  	[tilespmem:s14], [sflag:$0x2] =	stream.indirect.gather [hbm4b:s3+s11], $0x80, s26, s11, $0xb8;
	[tilespmem:$0x13400] =	vst v63  }
0x4f: {  	s29 =	sadd.s32 $0x180, s25  }
0x50: {  	[tilespmem:s15], [sflag:$0x2] =	stream.indirect.gather [hbm4b:s3+s11], $0x80, s29, s11, $0xb8;
	[tilespmem:$0x13400] =	vst v63  }
0x51: {  	_ =	swait.ge [sflag:s16], $0x4000  }
0x52: {  	[sflag:s16] =	ssyncset.done $0x0  }
0x53: {  	[sflag:s16] =	ssyncadd.s32 $0xFFFFC000  }
0x54: {  	_ =	swait.ge [sflag:s16], $0x4000  }
0x55: {  	[sflag:s16] =	ssyncset.done $0x0  }
0x56: {  	[sflag:s16] =	ssyncadd.s32 $0xFFFFC000  }
0x57: {  	[hbm4b:s24+s2] =	stream.linear.scatter [tilespmem:s12], [sflag:$0x3], $0x8000, $0x38;
	[tilespmem:$0x13400] =	vst v63  }
0x58: {  	_ =	swait.ge [sflag:s17], $0x8000  }
0x59: {  	[sflag:s17] =	ssyncset.done $0x0  }
0x5a: {  	s30 =	sadd.s32 $0x200, s25;
	[sflag:s17] =	ssyncadd.s32 $0xFFFF8000  }
0x5b: {  	[tilespmem:s12], [sflag:$0x1] =	stream.indirect.gather [hbm4b:s3+s11], $0x80, s30, s11, $0xb8;
	[tilespmem:$0x13400] =	vst v63  }
0x5c: {  	s31 =	sadd.s32 $0x280, s25  }
0x5d: {  	[tilespmem:s13], [sflag:$0x1] =	stream.indirect.gather [hbm4b:s3+s11], $0x80, s31, s11, $0xb8;
	[tilespmem:$0x13400] =	vst v63  }
0x5e: {  	_ =	swait.ge [sflag:s18], $0x4000  }
0x5f: {  	[sflag:s18] =	ssyncset.done $0x0  }
0x60: {  	[sflag:s18] =	ssyncadd.s32 $0xFFFFC000  }
0x61: {  	_ =	swait.ge [sflag:s18], $0x4000  }
0x62: {  	[sflag:s18] =	ssyncset.done $0x0  }
0x63: {  	[sflag:s18] =	ssyncadd.s32 $0xFFFFC000  }
0x64: {  	[hbm4b:s23+s2] =	stream.linear.scatter [tilespmem:s14], [sflag:$0x4], $0x8000, $0x38;
	[tilespmem:$0x13400] =	vst v63  }
0x65: {  	_ =	swait.ge [sflag:s19], $0x8000  }
0x66: {  	[sflag:s19] =	ssyncset.done $0x0  }
0x67: {  	[sflag:s19] =	ssyncadd.s32 $0xFFFF8000  }
0x68: {  	[tilespmem:s14], [sflag:$0x2] =	stream.indirect.gather [hbm4b:s3+s11], $0x80, s20, s11, $0xb8;
	[tilespmem:$0x13400] =	vst v63  }
0x69: {  	_ = 	snop  }
0x6a: {  	[tilespmem:s15], [sflag:$0x2] =	stream.indirect.gather [hbm4b:s3+s11], $0x80, s21, s11, $0xb8;
	[tilespmem:$0x13400] =	vst v63  }
0x6b: {  	_ =	swait.ge [sflag:s16], $0x4000  }
0x6c: {  	[sflag:s16] =	ssyncset.done $0x0  }
0x6d: {  	[sflag:s16] =	ssyncadd.s32 $0xFFFFC000  }
0x6e: {  	_ =	swait.ge [sflag:s16], $0x4000  }
0x6f: {  	[sflag:s16] =	ssyncset.done $0x0  }
0x70: {  	[sflag:s16] =	ssyncadd.s32 $0xFFFFC000  }
0x71: {  	[hbm4b:s6+s2] =	stream.linear.scatter [tilespmem:s12], [sflag:$0x3], $0x8000, $0x38;
	[tilespmem:$0x13400] =	vst v63  }
0x72: {  	_ =	swait.ge [sflag:s17], $0x8000  }
0x73: {  	[sflag:s17] =	ssyncset.done $0x0  }
0x74: {  	[sflag:s17] =	ssyncadd.s32 $0xFFFF8000  }
0x75: {  	_ =	swait.ge [sflag:s18], $0x4000  }
0x76: {  	[sflag:s18] =	ssyncset.done $0x0  }
0x77: {  	[sflag:s18] =	ssyncadd.s32 $0xFFFFC000  }
0x78: {  	s22 =	sadd.s32 $0x1, s22;
	_ =	swait.ge [sflag:s18], $0x4000  }
0x79: {  	p0 =	sne.s32 s22, s5;
	[sflag:s18] =	ssyncset.done $0x0  }
.Ltmp1:
0x7a: {  	[sflag:s18] =	ssyncadd.s32 $0xFFFFC000;
	(pc) =	sbr.rel @p0 .LBB2_1-.Ltmp1, $4  }
0x7b: {  	[hbm4b:s7+s2] =	stream.linear.scatter [tilespmem:s14], [sflag:$0x4], $0x8000, $0x38;
	[tilespmem:$0x13400] =	vst v63  }
0x7c: {  	_ =	swait.ge [sflag:s19], $0x8000  }
0x7d: {  	[sflag:s19] =	ssyncset.done $0x0  }
0x7e: {  	[sflag:s19] =	ssyncadd.s32 $0xFFFF8000  }
0x7f: {  	_ =	sfence.sel $0x180000  }
0x80: {  	[bflag:$0x0] =	sbarrier.arrive $0xFFFF  }
0x81: {  	p0 =	sne.s32 s0, $0x0;
	_ =	strace $0x90000047  }
0x82: {  	s0 =	sadd.s32 @!p0 $0x100000, s1;
	[bflag:$0x2] =	sbarrier.arrive $0xFFFF  }
0x83: {  	[sflag:s0] =	ssyncadd.tile.s32 @!p0 $0x1;
	_ =	shalt  }
.Lfunc_end2:
_tile_overlayer_lowered:
.L_overlay_start_2:
0x84: {  	(tag) =	ssettag $0x2  }
0x85: {  	s0 =	rddreg [dreg:$0x0];
	s2 =	stileid.u32  }
0x86: {  	s1 =	rddreg [dreg:$0x1];
	p0 =	sne.s32 s2, $0x0  }
0x87: {  	s3 =	rddreg [dreg:$0x2];
	[bflag:$0x3] =	sbarrier.arrive $0xFFFF;
	s2 =	simm.s32 @!p0 $0x1C05  }
0x88: {  	[timem:s3], [sflag:s2] =	dma.local @!p0 [hbm:s0], s1  }
0x89: {  	s0 =	simm.s32 @!p0 $0x5  }
0x8a: {  	_ =	swait.ge @!p0 [sflag:s0], s1  }
0x8b: {  	s1 =	ssub.s32 @!p0 $0x0, s1;
	[sflag:s0] =	ssyncset.done @!p0 $0x0  }
0x8c: {  	[sflag:s0] =	ssyncadd.s32 @!p0 s1  }
0x8d: {  	[bflag:$0x3] =	sbarrier.arrive $0xFFFF  }
0x8e: {  	_ =	shalt  }

</sc_bundles>
